<compile_context>
chip_gen: v7x
topology: tpu7x:2x2x1
jax: 0.10.2.dev20260603
libtpu: 0.0.44.dev20260713+nightly
codegen_flags: <defaults>
</compile_context>

<pallas_src>
import functools

import jax
import jax.numpy as jnp
from jax import lax
from jax.experimental import pallas as pl
from jax.experimental.pallas import tpu as pltpu
from jax.experimental.pallas import tpu_sc as plsc

TILE_M = 512
N_CORES = 2
N_SUBCORES = 16
N_WORKERS = N_CORES * N_SUBCORES


def _argmax_kernel(x_ref, wt_ref, b_ref, idx_ref):
    logits = jnp.dot(x_ref[...], wt_ref[...],
                     preferred_element_type=jnp.float32) + b_ref[...]
    m = jnp.max(logits, axis=1, keepdims=True)
    e = logits.shape[1]
    iota = jax.lax.broadcasted_iota(jnp.int32, logits.shape, 1)
    idx_ref[...] = jnp.min(jnp.where(logits == m, iota, e), axis=1,
                           keepdims=True)


def _tc_argmax(x, W, b):
    tokens, d_model = x.shape
    n_experts = W.shape[0]
    grid = (tokens // TILE_M,)
    return pl.pallas_call(
        _argmax_kernel,
        grid=grid,
        in_specs=[
            pl.BlockSpec((TILE_M, d_model), lambda i: (i, 0)),
            pl.BlockSpec((d_model, n_experts), lambda i: (0, 0)),
            pl.BlockSpec((1, n_experts), lambda i: (0, 0)),
        ],
        out_specs=pl.BlockSpec((TILE_M, 1), lambda i: (i, 0)),
        out_shape=jax.ShapeDtypeStruct((tokens, 1), jnp.int32),
        compiler_params=pltpu.CompilerParams(
            dimension_semantics=("arbitrary",),
        ),
    )(x, W.T, b.reshape(1, n_experts))


def _sc_onehot(idx_flat, tokens, n_experts):
    rpw = tokens // N_WORKERS
    chunk = rpw * n_experts
    mesh = plsc.VectorSubcoreMesh(core_axis_name="c", subcore_axis_name="s")

    @functools.partial(
        pl.kernel, mesh=mesh,
        out_type=jax.ShapeDtypeStruct((tokens * n_experts,), jnp.float32),
        scratch_types=[
            pltpu.VMEM((rpw,), jnp.int32),
            pltpu.VMEM((chunk,), jnp.float32),
            pltpu.VMEM((2, 128), jnp.int32),
            pltpu.VMEM((128,), jnp.float32),
            pltpu.SemaphoreType.DMA,
        ],
    )
    def onehot(idx_hbm, out_hbm, idx_v, buf_v, off_v, ones_v, sem):
        wid = lax.axis_index("s") * N_CORES + lax.axis_index("c")
        base = wid * rpw
        pltpu.sync_copy(idx_hbm.at[pl.ds(base, rpw)], idx_v)

        zeros16 = jnp.zeros((16,), jnp.float32)

        def zbody(i, carry):
            buf_v[pl.ds(i * 16, 16)] = zeros16
            return carry

        lax.fori_loop(0, chunk // 16, zbody, 0)
        pltpu.sync_copy(buf_v, out_hbm.at[pl.ds(base * n_experts, chunk)])

        iota16 = lax.broadcasted_iota(jnp.int32, (16,), 0)
        ones16 = jnp.ones((16,), jnp.float32)
        for g in range(rpw // 16):
            idx16 = idx_v[pl.ds(g * 16, 16)]
            off16 = (base + g * 16 + iota16) * n_experts + idx16
            off_v[g // 8, pl.ds((g % 8) * 16, 16)] = off16
            ones_v[pl.ds((g % 8) * 16, 16)] = ones16

        pltpu.async_copy(ones_v, out_hbm.at[off_v.at[0]], sem).wait()
        pltpu.async_copy(ones_v, out_hbm.at[off_v.at[1]], sem).wait()

    return onehot(idx_flat)


def kernel(x, W, b):
    tokens = x.shape[0]
    n_experts = W.shape[0]
    idx = _tc_argmax(x, W, b).reshape(tokens)
    out_flat = _sc_onehot(idx, tokens, n_experts)
    return out_flat.reshape(tokens, n_experts)

# --- scband reference (transcript-rebuilt; emitter-appended) ---
"""Pipeline reference for scband-gate-8650064134817 (READ-ONLY COPY).

The authoritative reference and input builder live on the scoring server;
editing this copy changes nothing except your own understanding.
"""

import jax, jax.numpy as jnp
import numpy as np

TOKENS = 8192
D_MODEL = 4096
N_EXPERTS = 64

def setup_inputs(seed: int = 0) -> dict:
    key = jax.random.key(seed)
    k1, k2 = jax.random.split(key, 2)
    x = jax.random.normal(k1, (TOKENS, D_MODEL), dtype=jnp.float32)
    W = jax.random.normal(k2, (N_EXPERTS, D_MODEL), dtype=jnp.float32) * (1.0 / np.sqrt(D_MODEL))
    b = jnp.zeros((N_EXPERTS,), dtype=jnp.float32)
    return {"x": x, "W": W, "b": b}

def reference(x, W, b):
    # Gate.forward in eval mode: linear head (dropout is identity at p=0 / eval),
    # then hard one-hot over top-1 expert via scatter of 1.0 into zeros.
    logits = x @ W.T + b
    _, idx = jax.lax.top_k(logits, 1)
    rows = jnp.arange(logits.shape[0])
    out = jnp.zeros_like(logits).at[rows, idx[:, 0]].set(1.0)
    return out

if __name__ == "__main__":
    import jax
    _d = setup_inputs()
    print(jax.jit(kernel)(*tuple(_d.values())))

</pallas_src>

<mosaic_0001>
#map = affine_map<(d0, d1) -> (0)>
module attributes {stable_mosaic.version = 14 : i64} {
  func.func @onehot(%arg0: i32, %arg1: i32, %arg2: memref<8192xi32, #tpu.memory_space<hbm>>, %arg3: memref<524288xf32, #tpu.memory_space<hbm>>, %arg4: memref<256xi32, #tpu.memory_space<vmem>>, %arg5: memref<16384xf32, #tpu.memory_space<vmem>>, %arg6: memref<2x128xi32, #tpu.memory_space<vmem>>, %arg7: memref<128xf32, #tpu.memory_space<vmem>>, %arg8: memref<!tpu.dma_semaphore, #tpu.memory_space<semaphore_mem>>) attributes {dimension_semantics = [#tpu.dimension_semantics<core_parallel>, #tpu.dimension_semantics<subcore_parallel>], iteration_bounds = array<i64: 2, 16>, scalar_prefetch = 0 : i64, scratch_operands = 5 : i64, tpu.core_type = #tpu.core_type<sc_vector_subcore>, window_params = [{transform_indices = #map}, {transform_indices = #map}]} {
    %mul3A = arith.constant 2 : i32
    %mul3A_0 = arith.muli %arg1, %mul3A : i32
    %add3A = arith.addi %mul3A_0, %arg0 : i32
    %mul3A_1 = arith.constant 256 : i32
    %mul3A_2 = arith.muli %add3A, %mul3A_1 : i32
    "tpu.region"() ({
      %run_scoped3A = tpu.sem_alloc : memref<!tpu.dma_semaphore, #tpu.memory_space<semaphore_mem>>
      %dma_start3A_369 = tpu.memref_slice %arg2[%mul3A_2] : memref<8192xi32, #tpu.memory_space<hbm>> -> memref<256xi32, #tpu.memory_space<hbm>>
      %dma_start3A_370 = tpu.memref_slice %arg2[%mul3A_2] : memref<8192xi32, #tpu.memory_space<hbm>> -> memref<256xi32, #tpu.memory_space<hbm>>
      tpu.enqueue_dma source(%dma_start3A_370 : memref<256xi32, #tpu.memory_space<hbm>>) target(%arg4 : memref<256xi32, #tpu.memory_space<vmem>>) target_semaphore(%run_scoped3A : memref<!tpu.dma_semaphore, #tpu.memory_space<semaphore_mem>>)
      %dma_wait3A_371 = tpu.memref_slice %arg2[%mul3A_2] : memref<8192xi32, #tpu.memory_space<hbm>> -> memref<256xi32, #tpu.memory_space<hbm>>
      %dma_wait3A_372 = tpu.memref_slice %arg2[%mul3A_2] : memref<8192xi32, #tpu.memory_space<hbm>> -> memref<256xi32, #tpu.memory_space<hbm>>
      tpu.wait_dma2 semaphore(%run_scoped3A : memref<!tpu.dma_semaphore, #tpu.memory_space<semaphore_mem>>) src(%dma_wait3A_372 : memref<256xi32, #tpu.memory_space<hbm>>) dst(%arg4 : memref<256xi32, #tpu.memory_space<vmem>>)
      tpu.yield
    }) : () -> ()
    %broadcast_in_dim3A = arith.constant 0.000000e+00 : f32
    %broadcast_in_dim3A_3 = vector.broadcast %broadcast_in_dim3A : f32 to vector<16xf32>
    %scan3A = arith.constant 0 : i32
    %scan3A_4 = arith.constant 0 : i32
    %scan3A_5 = arith.constant 1024 : i32
    %scan3A_6 = arith.addi %scan3A_4, %scan3A_5 : i32
    %scan3A_7 = arith.constant 1 : i32
    scf.for %scan3A_369 = %scan3A_4 to %scan3A_6 step %scan3A_7  : i32 {
      %mul3A_370 = arith.constant 16 : i32
      %mul3A_371 = arith.muli %scan3A_369, %mul3A_370 : i32
      %swap3A_372 = arith.index_cast %mul3A_371 : i32 to index
      %swap3A_373 = tpu.vector_load %arg5[%swap3A_372] {strides = array<i32>} : memref<16384xf32, #tpu.memory_space<vmem>>, vector<16xf32>,
      %swap3A_374 = vector.shape_cast %swap3A_373 : vector<16xf32> to vector<16xf32>
      %swap3A_375 = vector.shape_cast %broadcast_in_dim3A_3 : vector<16xf32> to vector<16xf32>
      tpu.vector_store %arg5[%swap3A_372], %swap3A_375 {strides = array<i32>} : memref<16384xf32, #tpu.memory_space<vmem>>, vector<16xf32>,
    }
    %scan3A_8 = arith.constant 1024 : i32
    %mul3A_9 = arith.constant 64 : i32
    %mul3A_10 = arith.muli %mul3A_2, %mul3A_9 : i32
    "tpu.region"() ({
      %run_scoped3A = tpu.sem_alloc : memref<!tpu.dma_semaphore, #tpu.memory_space<semaphore_mem>>
      %dma_start3A_369 = tpu.memref_slice %arg3[%mul3A_10] : memref<524288xf32, #tpu.memory_space<hbm>> -> memref<16384xf32, #tpu.memory_space<hbm>>
      %dma_start3A_370 = tpu.memref_slice %arg3[%mul3A_10] : memref<524288xf32, #tpu.memory_space<hbm>> -> memref<16384xf32, #tpu.memory_space<hbm>>
      tpu.enqueue_dma source(%arg5 : memref<16384xf32, #tpu.memory_space<vmem>>) target(%dma_start3A_370 : memref<16384xf32, #tpu.memory_space<hbm>>) target_semaphore(%run_scoped3A : memref<!tpu.dma_semaphore, #tpu.memory_space<semaphore_mem>>)
      %dma_wait3A_371 = tpu.memref_slice %arg3[%mul3A_10] : memref<524288xf32, #tpu.memory_space<hbm>> -> memref<16384xf32, #tpu.memory_space<hbm>>
      %dma_wait3A_372 = tpu.memref_slice %arg3[%mul3A_10] : memref<524288xf32, #tpu.memory_space<hbm>> -> memref<16384xf32, #tpu.memory_space<hbm>>
      tpu.wait_dma2 semaphore(%run_scoped3A : memref<!tpu.dma_semaphore, #tpu.memory_space<semaphore_mem>>) src(%arg5 : memref<16384xf32, #tpu.memory_space<vmem>>) dst(%dma_wait3A_372 : memref<16384xf32, #tpu.memory_space<hbm>>)
      tpu.yield
    }) : () -> ()
    %iota3A = tpu.iota {dimensions = array<i32: 0>} : vector<16xi32>
    %broadcast_in_dim3A_11 = arith.constant 1.000000e+00 : f32
    %broadcast_in_dim3A_12 = vector.broadcast %broadcast_in_dim3A_11 : f32 to vector<16xf32>
    %get3A = arith.constant 0 : index
    %get3A_13 = tpu.vector_load %arg4[%get3A] {strides = array<i32>} : memref<256xi32, #tpu.memory_space<vmem>>, vector<16xi32>,
    %get3A_14 = vector.shape_cast %get3A_13 : vector<16xi32> to vector<16xi32>
    %add3A_15 = arith.constant 0 : i32
    %add3A_16 = arith.addi %mul3A_2, %add3A_15 : i32
    %add3A_17 = vector.broadcast %add3A_16 : i32 to vector<16xi32>
    %add3A_18 = arith.addi %add3A_17, %iota3A : vector<16xi32>
    %mul3A_19 = arith.constant 64 : i32
    %mul3A_20 = vector.broadcast %mul3A_19 : i32 to vector<16xi32>
    %mul3A_21 = arith.muli %add3A_18, %mul3A_20 : vector<16xi32>
    %add3A_22 = arith.addi %mul3A_21, %get3A_14 : vector<16xi32>
    %swap3A = arith.constant 0 : i32
    %swap3A_23 = arith.index_cast %swap3A : i32 to index
    %swap3A_24 = arith.constant 0 : index
    %swap3A_25 = tpu.vector_load %arg6[%swap3A_23, %swap3A_24] {strides = array<i32>} : memref<2x128xi32, #tpu.memory_space<vmem>>, vector<1x16xi32>,
    %swap3A_26 = vector.shape_cast %swap3A_25 : vector<1x16xi32> to vector<16xi32>
    %swap3A_27 = vector.shape_cast %add3A_22 : vector<16xi32> to vector<1x16xi32>
    tpu.vector_store %arg6[%swap3A_23, %swap3A_24], %swap3A_27 {strides = array<i32>} : memref<2x128xi32, #tpu.memory_space<vmem>>, vector<1x16xi32>,
    %swap3A_28 = arith.constant 0 : index
    %swap3A_29 = tpu.vector_load %arg7[%swap3A_28] {strides = array<i32>} : memref<128xf32, #tpu.memory_space<vmem>>, vector<16xf32>,
    %swap3A_30 = vector.shape_cast %swap3A_29 : vector<16xf32> to vector<16xf32>
    %swap3A_31 = vector.shape_cast %broadcast_in_dim3A_12 : vector<16xf32> to vector<16xf32>
    tpu.vector_store %arg7[%swap3A_28], %swap3A_31 {strides = array<i32>} : memref<128xf32, #tpu.memory_space<vmem>>, vector<16xf32>,
    %get3A_32 = arith.constant 16 : index
    %get3A_33 = tpu.vector_load %arg4[%get3A_32] {strides = array<i32>} : memref<256xi32, #tpu.memory_space<vmem>>, vector<16xi32>,
    %get3A_34 = vector.shape_cast %get3A_33 : vector<16xi32> to vector<16xi32>
    %add3A_35 = arith.constant 16 : i32
    %add3A_36 = arith.addi %mul3A_2, %add3A_35 : i32
    %add3A_37 = vector.broadcast %add3A_36 : i32 to vector<16xi32>
    %add3A_38 = arith.addi %add3A_37, %iota3A : vector<16xi32>
    %mul3A_39 = arith.constant 64 : i32
    %mul3A_40 = vector.broadcast %mul3A_39 : i32 to vector<16xi32>
    %mul3A_41 = arith.muli %add3A_38, %mul3A_40 : vector<16xi32>
    %add3A_42 = arith.addi %mul3A_41, %get3A_34 : vector<16xi32>
    %swap3A_43 = arith.constant 0 : i32
    %swap3A_44 = arith.index_cast %swap3A_43 : i32 to index
    %swap3A_45 = arith.constant 16 : index
    %swap3A_46 = tpu.vector_load %arg6[%swap3A_44, %swap3A_45] {strides = array<i32>} : memref<2x128xi32, #tpu.memory_space<vmem>>, vector<1x16xi32>,
    %swap3A_47 = vector.shape_cast %swap3A_46 : vector<1x16xi32> to vector<16xi32>
    %swap3A_48 = vector.shape_cast %add3A_42 : vector<16xi32> to vector<1x16xi32>
    tpu.vector_store %arg6[%swap3A_44, %swap3A_45], %swap3A_48 {strides = array<i32>} : memref<2x128xi32, #tpu.memory_space<vmem>>, vector<1x16xi32>,
    %swap3A_49 = arith.constant 16 : index
    %swap3A_50 = tpu.vector_load %arg7[%swap3A_49] {strides = array<i32>} : memref<128xf32, #tpu.memory_space<vmem>>, vector<16xf32>,
    %swap3A_51 = vector.shape_cast %swap3A_50 : vector<16xf32> to vector<16xf32>
    %swap3A_52 = vector.shape_cast %broadcast_in_dim3A_12 : vector<16xf32> to vector<16xf32>
    tpu.vector_store %arg7[%swap3A_49], %swap3A_52 {strides = array<i32>} : memref<128xf32, #tpu.memory_space<vmem>>, vector<16xf32>,
    %get3A_53 = arith.constant 32 : index
    %get3A_54 = tpu.vector_load %arg4[%get3A_53] {strides = array<i32>} : memref<256xi32, #tpu.memory_space<vmem>>, vector<16xi32>,
    %get3A_55 = vector.shape_cast %get3A_54 : vector<16xi32> to vector<16xi32>
    %add3A_56 = arith.constant 32 : i32
    %add3A_57 = arith.addi %mul3A_2, %add3A_56 : i32
    %add3A_58 = vector.broadcast %add3A_57 : i32 to vector<16xi32>
    %add3A_59 = arith.addi %add3A_58, %iota3A : vector<16xi32>
    %mul3A_60 = arith.constant 64 : i32
    %mul3A_61 = vector.broadcast %mul3A_60 : i32 to vector<16xi32>
    %mul3A_62 = arith.muli %add3A_59, %mul3A_61 : vector<16xi32>
    %add3A_63 = arith.addi %mul3A_62, %get3A_55 : vector<16xi32>
    %swap3A_64 = arith.constant 0 : i32
    %swap3A_65 = arith.index_cast %swap3A_64 : i32 to index
    %swap3A_66 = arith.constant 32 : index
    %swap3A_67 = tpu.vector_load %arg6[%swap3A_65, %swap3A_66] {strides = array<i32>} : memref<2x128xi32, #tpu.memory_space<vmem>>, vector<1x16xi32>,
    %swap3A_68 = vector.shape_cast %swap3A_67 : vector<1x16xi32> to vector<16xi32>
    %swap3A_69 = vector.shape_cast %add3A_63 : vector<16xi32> to vector<1x16xi32>
    tpu.vector_store %arg6[%swap3A_65, %swap3A_66], %swap3A_69 {strides = array<i32>} : memref<2x128xi32, #tpu.memory_space<vmem>>, vector<1x16xi32>,
    %swap3A_70 = arith.constant 32 : index
    %swap3A_71 = tpu.vector_load %arg7[%swap3A_70] {strides = array<i32>} : memref<128xf32, #tpu.memory_space<vmem>>, vector<16xf32>,
    %swap3A_72 = vector.shape_cast %swap3A_71 : vector<16xf32> to vector<16xf32>
    %swap3A_73 = vector.shape_cast %broadcast_in_dim3A_12 : vector<16xf32> to vector<16xf32>
    tpu.vector_store %arg7[%swap3A_70], %swap3A_73 {strides = array<i32>} : memref<128xf32, #tpu.memory_space<vmem>>, vector<16xf32>,
    %get3A_74 = arith.constant 48 : index
    %get3A_75 = tpu.vector_load %arg4[%get3A_74] {strides = array<i32>} : memref<256xi32, #tpu.memory_space<vmem>>, vector<16xi32>,
    %get3A_76 = vector.shape_cast %get3A_75 : vector<16xi32> to vector<16xi32>
    %add3A_77 = arith.constant 48 : i32
    %add3A_78 = arith.addi %mul3A_2, %add3A_77 : i32
    %add3A_79 = vector.broadcast %add3A_78 : i32 to vector<16xi32>
    %add3A_80 = arith.addi %add3A_79, %iota3A : vector<16xi32>
    %mul3A_81 = arith.constant 64 : i32
    %mul3A_82 = vector.broadcast %mul3A_81 : i32 to vector<16xi32>
    %mul3A_83 = arith.muli %add3A_80, %mul3A_82 : vector<16xi32>
    %add3A_84 = arith.addi %mul3A_83, %get3A_76 : vector<16xi32>
    %swap3A_85 = arith.constant 0 : i32
    %swap3A_86 = arith.index_cast %swap3A_85 : i32 to index
    %swap3A_87 = arith.constant 48 : index
    %swap3A_88 = tpu.vector_load %arg6[%swap3A_86, %swap3A_87] {strides = array<i32>} : memref<2x128xi32, #tpu.memory_space<vmem>>, vector<1x16xi32>,
    %swap3A_89 = vector.shape_cast %swap3A_88 : vector<1x16xi32> to vector<16xi32>
    %swap3A_90 = vector.shape_cast %add3A_84 : vector<16xi32> to vector<1x16xi32>
    tpu.vector_store %arg6[%swap3A_86, %swap3A_87], %swap3A_90 {strides = array<i32>} : memref<2x128xi32, #tpu.memory_space<vmem>>, vector<1x16xi32>,
    %swap3A_91 = arith.constant 48 : index
    %swap3A_92 = tpu.vector_load %arg7[%swap3A_91] {strides = array<i32>} : memref<128xf32, #tpu.memory_space<vmem>>, vector<16xf32>,
    %swap3A_93 = vector.shape_cast %swap3A_92 : vector<16xf32> to vector<16xf32>
    %swap3A_94 = vector.shape_cast %broadcast_in_dim3A_12 : vector<16xf32> to vector<16xf32>
    tpu.vector_store %arg7[%swap3A_91], %swap3A_94 {strides = array<i32>} : memref<128xf32, #tpu.memory_space<vmem>>, vector<16xf32>,
    %get3A_95 = arith.constant 64 : index
    %get3A_96 = tpu.vector_load %arg4[%get3A_95] {strides = array<i32>} : memref<256xi32, #tpu.memory_space<vmem>>, vector<16xi32>,
    %get3A_97 = vector.shape_cast %get3A_96 : vector<16xi32> to vector<16xi32>
    %add3A_98 = arith.constant 64 : i32
    %add3A_99 = arith.addi %mul3A_2, %add3A_98 : i32
    %add3A_100 = vector.broadcast %add3A_99 : i32 to vector<16xi32>
    %add3A_101 = arith.addi %add3A_100, %iota3A : vector<16xi32>
    %mul3A_102 = arith.constant 64 : i32
    %mul3A_103 = vector.broadcast %mul3A_102 : i32 to vector<16xi32>
    %mul3A_104 = arith.muli %add3A_101, %mul3A_103 : vector<16xi32>
    %add3A_105 = arith.addi %mul3A_104, %get3A_97 : vector<16xi32>
    %swap3A_106 = arith.constant 0 : i32
    %swap3A_107 = arith.index_cast %swap3A_106 : i32 to index
    %swap3A_108 = arith.constant 64 : index
    %swap3A_109 = tpu.vector_load %arg6[%swap3A_107, %swap3A_108] {strides = array<i32>} : memref<2x128xi32, #tpu.memory_space<vmem>>, vector<1x16xi32>,
    %swap3A_110 = vector.shape_cast %swap3A_109 : vector<1x16xi32> to vector<16xi32>
    %swap3A_111 = vector.shape_cast %add3A_105 : vector<16xi32> to vector<1x16xi32>
    tpu.vector_store %arg6[%swap3A_107, %swap3A_108], %swap3A_111 {strides = array<i32>} : memref<2x128xi32, #tpu.memory_space<vmem>>, vector<1x16xi32>,
    %swap3A_112 = arith.constant 64 : index
    %swap3A_113 = tpu.vector_load %arg7[%swap3A_112] {strides = array<i32>} : memref<128xf32, #tpu.memory_space<vmem>>, vector<16xf32>,
    %swap3A_114 = vector.shape_cast %swap3A_113 : vector<16xf32> to vector<16xf32>
    %swap3A_115 = vector.shape_cast %broadcast_in_dim3A_12 : vector<16xf32> to vector<16xf32>
    tpu.vector_store %arg7[%swap3A_112], %swap3A_115 {strides = array<i32>} : memref<128xf32, #tpu.memory_space<vmem>>, vector<16xf32>,
    %get3A_116 = arith.constant 80 : index
    %get3A_117 = tpu.vector_load %arg4[%get3A_116] {strides = array<i32>} : memref<256xi32, #tpu.memory_space<vmem>>, vector<16xi32>,
    %get3A_118 = vector.shape_cast %get3A_117 : vector<16xi32> to vector<16xi32>
    %add3A_119 = arith.constant 80 : i32
    %add3A_120 = arith.addi %mul3A_2, %add3A_119 : i32
    %add3A_121 = vector.broadcast %add3A_120 : i32 to vector<16xi32>
    %add3A_122 = arith.addi %add3A_121, %iota3A : vector<16xi32>
    %mul3A_123 = arith.constant 64 : i32
    %mul3A_124 = vector.broadcast %mul3A_123 : i32 to vector<16xi32>
    %mul3A_125 = arith.muli %add3A_122, %mul3A_124 : vector<16xi32>
    %add3A_126 = arith.addi %mul3A_125, %get3A_118 : vector<16xi32>
    %swap3A_127 = arith.constant 0 : i32
    %swap3A_128 = arith.index_cast %swap3A_127 : i32 to index
    %swap3A_129 = arith.constant 80 : index
    %swap3A_130 = tpu.vector_load %arg6[%swap3A_128, %swap3A_129] {strides = array<i32>} : memref<2x128xi32, #tpu.memory_space<vmem>>, vector<1x16xi32>,
    %swap3A_131 = vector.shape_cast %swap3A_130 : vector<1x16xi32> to vector<16xi32>
    %swap3A_132 = vector.shape_cast %add3A_126 : vector<16xi32> to vector<1x16xi32>
    tpu.vector_store %arg6[%swap3A_128, %swap3A_129], %swap3A_132 {strides = array<i32>} : memref<2x128xi32, #tpu.memory_space<vmem>>, vector<1x16xi32>,
    %swap3A_133 = arith.constant 80 : index
    %swap3A_134 = tpu.vector_load %arg7[%swap3A_133] {strides = array<i32>} : memref<128xf32, #tpu.memory_space<vmem>>, vector<16xf32>,
    %swap3A_135 = vector.shape_cast %swap3A_134 : vector<16xf32> to vector<16xf32>
    %swap3A_136 = vector.shape_cast %broadcast_in_dim3A_12 : vector<16xf32> to vector<16xf32>
    tpu.vector_store %arg7[%swap3A_133], %swap3A_136 {strides = array<i32>} : memref<128xf32, #tpu.memory_space<vmem>>, vector<16xf32>,
    %get3A_137 = arith.constant 96 : index
    %get3A_138 = tpu.vector_load %arg4[%get3A_137] {strides = array<i32>} : memref<256xi32, #tpu.memory_space<vmem>>, vector<16xi32>,
    %get3A_139 = vector.shape_cast %get3A_138 : vector<16xi32> to vector<16xi32>
    %add3A_140 = arith.constant 96 : i32
    %add3A_141 = arith.addi %mul3A_2, %add3A_140 : i32
    %add3A_142 = vector.broadcast %add3A_141 : i32 to vector<16xi32>
    %add3A_143 = arith.addi %add3A_142, %iota3A : vector<16xi32>
    %mul3A_144 = arith.constant 64 : i32
    %mul3A_145 = vector.broadcast %mul3A_144 : i32 to vector<16xi32>
    %mul3A_146 = arith.muli %add3A_143, %mul3A_145 : vector<16xi32>
    %add3A_147 = arith.addi %mul3A_146, %get3A_139 : vector<16xi32>
    %swap3A_148 = arith.constant 0 : i32
    %swap3A_149 = arith.index_cast %swap3A_148 : i32 to index
    %swap3A_150 = arith.constant 96 : index
    %swap3A_151 = tpu.vector_load %arg6[%swap3A_149, %swap3A_150] {strides = array<i32>} : memref<2x128xi32, #tpu.memory_space<vmem>>, vector<1x16xi32>,
    %swap3A_152 = vector.shape_cast %swap3A_151 : vector<1x16xi32> to vector<16xi32>
    %swap3A_153 = vector.shape_cast %add3A_147 : vector<16xi32> to vector<1x16xi32>
    tpu.vector_store %arg6[%swap3A_149, %swap3A_150], %swap3A_153 {strides = array<i32>} : memref<2x128xi32, #tpu.memory_space<vmem>>, vector<1x16xi32>,
    %swap3A_154 = arith.constant 96 : index
    %swap3A_155 = tpu.vector_load %arg7[%swap3A_154] {strides = array<i32>} : memref<128xf32, #tpu.memory_space<vmem>>, vector<16xf32>,
    %swap3A_156 = vector.shape_cast %swap3A_155 : vector<16xf32> to vector<16xf32>
    %swap3A_157 = vector.shape_cast %broadcast_in_dim3A_12 : vector<16xf32> to vector<16xf32>
    tpu.vector_store %arg7[%swap3A_154], %swap3A_157 {strides = array<i32>} : memref<128xf32, #tpu.memory_space<vmem>>, vector<16xf32>,
    %get3A_158 = arith.constant 112 : index
    %get3A_159 = tpu.vector_load %arg4[%get3A_158] {strides = array<i32>} : memref<256xi32, #tpu.memory_space<vmem>>, vector<16xi32>,
    %get3A_160 = vector.shape_cast %get3A_159 : vector<16xi32> to vector<16xi32>
    %add3A_161 = arith.constant 112 : i32
    %add3A_162 = arith.addi %mul3A_2, %add3A_161 : i32
    %add3A_163 = vector.broadcast %add3A_162 : i32 to vector<16xi32>
    %add3A_164 = arith.addi %add3A_163, %iota3A : vector<16xi32>
    %mul3A_165 = arith.constant 64 : i32
    %mul3A_166 = vector.broadcast %mul3A_165 : i32 to vector<16xi32>
    %mul3A_167 = arith.muli %add3A_164, %mul3A_166 : vector<16xi32>
    %add3A_168 = arith.addi %mul3A_167, %get3A_160 : vector<16xi32>
    %swap3A_169 = arith.constant 0 : i32
    %swap3A_170 = arith.index_cast %swap3A_169 : i32 to index
    %swap3A_171 = arith.constant 112 : index
    %swap3A_172 = tpu.vector_load %arg6[%swap3A_170, %swap3A_171] {strides = array<i32>} : memref<2x128xi32, #tpu.memory_space<vmem>>, vector<1x16xi32>,
    %swap3A_173 = vector.shape_cast %swap3A_172 : vector<1x16xi32> to vector<16xi32>
    %swap3A_174 = vector.shape_cast %add3A_168 : vector<16xi32> to vector<1x16xi32>
    tpu.vector_store %arg6[%swap3A_170, %swap3A_171], %swap3A_174 {strides = array<i32>} : memref<2x128xi32, #tpu.memory_space<vmem>>, vector<1x16xi32>,
    %swap3A_175 = arith.constant 112 : index
    %swap3A_176 = tpu.vector_load %arg7[%swap3A_175] {strides = array<i32>} : memref<128xf32, #tpu.memory_space<vmem>>, vector<16xf32>,
    %swap3A_177 = vector.shape_cast %swap3A_176 : vector<16xf32> to vector<16xf32>
    %swap3A_178 = vector.shape_cast %broadcast_in_dim3A_12 : vector<16xf32> to vector<16xf32>
    tpu.vector_store %arg7[%swap3A_175], %swap3A_178 {strides = array<i32>} : memref<128xf32, #tpu.memory_space<vmem>>, vector<16xf32>,
    %get3A_179 = arith.constant 128 : index
    %get3A_180 = tpu.vector_load %arg4[%get3A_179] {strides = array<i32>} : memref<256xi32, #tpu.memory_space<vmem>>, vector<16xi32>,
    %get3A_181 = vector.shape_cast %get3A_180 : vector<16xi32> to vector<16xi32>
    %add3A_182 = arith.constant 128 : i32
    %add3A_183 = arith.addi %mul3A_2, %add3A_182 : i32
    %add3A_184 = vector.broadcast %add3A_183 : i32 to vector<16xi32>
    %add3A_185 = arith.addi %add3A_184, %iota3A : vector<16xi32>
    %mul3A_186 = arith.constant 64 : i32
    %mul3A_187 = vector.broadcast %mul3A_186 : i32 to vector<16xi32>
    %mul3A_188 = arith.muli %add3A_185, %mul3A_187 : vector<16xi32>
    %add3A_189 = arith.addi %mul3A_188, %get3A_181 : vector<16xi32>
    %swap3A_190 = arith.constant 1 : i32
    %swap3A_191 = arith.index_cast %swap3A_190 : i32 to index
    %swap3A_192 = arith.constant 0 : index
    %swap3A_193 = tpu.vector_load %arg6[%swap3A_191, %swap3A_192] {strides = array<i32>} : memref<2x128xi32, #tpu.memory_space<vmem>>, vector<1x16xi32>,
    %swap3A_194 = vector.shape_cast %swap3A_193 : vector<1x16xi32> to vector<16xi32>
    %swap3A_195 = vector.shape_cast %add3A_189 : vector<16xi32> to vector<1x16xi32>
    tpu.vector_store %arg6[%swap3A_191, %swap3A_192], %swap3A_195 {strides = array<i32>} : memref<2x128xi32, #tpu.memory_space<vmem>>, vector<1x16xi32>,
    %swap3A_196 = arith.constant 0 : index
    %swap3A_197 = tpu.vector_load %arg7[%swap3A_196] {strides = array<i32>} : memref<128xf32, #tpu.memory_space<vmem>>, vector<16xf32>,
    %swap3A_198 = vector.shape_cast %swap3A_197 : vector<16xf32> to vector<16xf32>
    %swap3A_199 = vector.shape_cast %broadcast_in_dim3A_12 : vector<16xf32> to vector<16xf32>
    tpu.vector_store %arg7[%swap3A_196], %swap3A_199 {strides = array<i32>} : memref<128xf32, #tpu.memory_space<vmem>>, vector<16xf32>,
    %get3A_200 = arith.constant 144 : index
    %get3A_201 = tpu.vector_load %arg4[%get3A_200] {strides = array<i32>} : memref<256xi32, #tpu.memory_space<vmem>>, vector<16xi32>,
    %get3A_202 = vector.shape_cast %get3A_201 : vector<16xi32> to vector<16xi32>
    %add3A_203 = arith.constant 144 : i32
    %add3A_204 = arith.addi %mul3A_2, %add3A_203 : i32
    %add3A_205 = vector.broadcast %add3A_204 : i32 to vector<16xi32>
    %add3A_206 = arith.addi %add3A_205, %iota3A : vector<16xi32>
    %mul3A_207 = arith.constant 64 : i32
    %mul3A_208 = vector.broadcast %mul3A_207 : i32 to vector<16xi32>
    %mul3A_209 = arith.muli %add3A_206, %mul3A_208 : vector<16xi32>
    %add3A_210 = arith.addi %mul3A_209, %get3A_202 : vector<16xi32>
    %swap3A_211 = arith.constant 1 : i32
    %swap3A_212 = arith.index_cast %swap3A_211 : i32 to index
    %swap3A_213 = arith.constant 16 : index
    %swap3A_214 = tpu.vector_load %arg6[%swap3A_212, %swap3A_213] {strides = array<i32>} : memref<2x128xi32, #tpu.memory_space<vmem>>, vector<1x16xi32>,
    %swap3A_215 = vector.shape_cast %swap3A_214 : vector<1x16xi32> to vector<16xi32>
    %swap3A_216 = vector.shape_cast %add3A_210 : vector<16xi32> to vector<1x16xi32>
    tpu.vector_store %arg6[%swap3A_212, %swap3A_213], %swap3A_216 {strides = array<i32>} : memref<2x128xi32, #tpu.memory_space<vmem>>, vector<1x16xi32>,
    %swap3A_217 = arith.constant 16 : index
    %swap3A_218 = tpu.vector_load %arg7[%swap3A_217] {strides = array<i32>} : memref<128xf32, #tpu.memory_space<vmem>>, vector<16xf32>,
    %swap3A_219 = vector.shape_cast %swap3A_218 : vector<16xf32> to vector<16xf32>
    %swap3A_220 = vector.shape_cast %broadcast_in_dim3A_12 : vector<16xf32> to vector<16xf32>
    tpu.vector_store %arg7[%swap3A_217], %swap3A_220 {strides = array<i32>} : memref<128xf32, #tpu.memory_space<vmem>>, vector<16xf32>,
    %get3A_221 = arith.constant 160 : index
    %get3A_222 = tpu.vector_load %arg4[%get3A_221] {strides = array<i32>} : memref<256xi32, #tpu.memory_space<vmem>>, vector<16xi32>,
    %get3A_223 = vector.shape_cast %get3A_222 : vector<16xi32> to vector<16xi32>
    %add3A_224 = arith.constant 160 : i32
    %add3A_225 = arith.addi %mul3A_2, %add3A_224 : i32
    %add3A_226 = vector.broadcast %add3A_225 : i32 to vector<16xi32>
    %add3A_227 = arith.addi %add3A_226, %iota3A : vector<16xi32>
    %mul3A_228 = arith.constant 64 : i32
    %mul3A_229 = vector.broadcast %mul3A_228 : i32 to vector<16xi32>
    %mul3A_230 = arith.muli %add3A_227, %mul3A_229 : vector<16xi32>
    %add3A_231 = arith.addi %mul3A_230, %get3A_223 : vector<16xi32>
    %swap3A_232 = arith.constant 1 : i32
    %swap3A_233 = arith.index_cast %swap3A_232 : i32 to index
    %swap3A_234 = arith.constant 32 : index
    %swap3A_235 = tpu.vector_load %arg6[%swap3A_233, %swap3A_234] {strides = array<i32>} : memref<2x128xi32, #tpu.memory_space<vmem>>, vector<1x16xi32>,
    %swap3A_236 = vector.shape_cast %swap3A_235 : vector<1x16xi32> to vector<16xi32>
    %swap3A_237 = vector.shape_cast %add3A_231 : vector<16xi32> to vector<1x16xi32>
    tpu.vector_store %arg6[%swap3A_233, %swap3A_234], %swap3A_237 {strides = array<i32>} : memref<2x128xi32, #tpu.memory_space<vmem>>, vector<1x16xi32>,
    %swap3A_238 = arith.constant 32 : index
    %swap3A_239 = tpu.vector_load %arg7[%swap3A_238] {strides = array<i32>} : memref<128xf32, #tpu.memory_space<vmem>>, vector<16xf32>,
    %swap3A_240 = vector.shape_cast %swap3A_239 : vector<16xf32> to vector<16xf32>
    %swap3A_241 = vector.shape_cast %broadcast_in_dim3A_12 : vector<16xf32> to vector<16xf32>
    tpu.vector_store %arg7[%swap3A_238], %swap3A_241 {strides = array<i32>} : memref<128xf32, #tpu.memory_space<vmem>>, vector<16xf32>,
    %get3A_242 = arith.constant 176 : index
    %get3A_243 = tpu.vector_load %arg4[%get3A_242] {strides = array<i32>} : memref<256xi32, #tpu.memory_space<vmem>>, vector<16xi32>,
    %get3A_244 = vector.shape_cast %get3A_243 : vector<16xi32> to vector<16xi32>
    %add3A_245 = arith.constant 176 : i32
    %add3A_246 = arith.addi %mul3A_2, %add3A_245 : i32
    %add3A_247 = vector.broadcast %add3A_246 : i32 to vector<16xi32>
    %add3A_248 = arith.addi %add3A_247, %iota3A : vector<16xi32>
    %mul3A_249 = arith.constant 64 : i32
    %mul3A_250 = vector.broadcast %mul3A_249 : i32 to vector<16xi32>
    %mul3A_251 = arith.muli %add3A_248, %mul3A_250 : vector<16xi32>
    %add3A_252 = arith.addi %mul3A_251, %get3A_244 : vector<16xi32>
    %swap3A_253 = arith.constant 1 : i32
    %swap3A_254 = arith.index_cast %swap3A_253 : i32 to index
    %swap3A_255 = arith.constant 48 : index
    %swap3A_256 = tpu.vector_load %arg6[%swap3A_254, %swap3A_255] {strides = array<i32>} : memref<2x128xi32, #tpu.memory_space<vmem>>, vector<1x16xi32>,
    %swap3A_257 = vector.shape_cast %swap3A_256 : vector<1x16xi32> to vector<16xi32>
    %swap3A_258 = vector.shape_cast %add3A_252 : vector<16xi32> to vector<1x16xi32>
    tpu.vector_store %arg6[%swap3A_254, %swap3A_255], %swap3A_258 {strides = array<i32>} : memref<2x128xi32, #tpu.memory_space<vmem>>, vector<1x16xi32>,
    %swap3A_259 = arith.constant 48 : index
    %swap3A_260 = tpu.vector_load %arg7[%swap3A_259] {strides = array<i32>} : memref<128xf32, #tpu.memory_space<vmem>>, vector<16xf32>,
    %swap3A_261 = vector.shape_cast %swap3A_260 : vector<16xf32> to vector<16xf32>
    %swap3A_262 = vector.shape_cast %broadcast_in_dim3A_12 : vector<16xf32> to vector<16xf32>
    tpu.vector_store %arg7[%swap3A_259], %swap3A_262 {strides = array<i32>} : memref<128xf32, #tpu.memory_space<vmem>>, vector<16xf32>,
    %get3A_263 = arith.constant 192 : index
    %get3A_264 = tpu.vector_load %arg4[%get3A_263] {strides = array<i32>} : memref<256xi32, #tpu.memory_space<vmem>>, vector<16xi32>,
    %get3A_265 = vector.shape_cast %get3A_264 : vector<16xi32> to vector<16xi32>
    %add3A_266 = arith.constant 192 : i32
    %add3A_267 = arith.addi %mul3A_2, %add3A_266 : i32
    %add3A_268 = vector.broadcast %add3A_267 : i32 to vector<16xi32>
    %add3A_269 = arith.addi %add3A_268, %iota3A : vector<16xi32>
    %mul3A_270 = arith.constant 64 : i32
    %mul3A_271 = vector.broadcast %mul3A_270 : i32 to vector<16xi32>
    %mul3A_272 = arith.muli %add3A_269, %mul3A_271 : vector<16xi32>
    %add3A_273 = arith.addi %mul3A_272, %get3A_265 : vector<16xi32>
    %swap3A_274 = arith.constant 1 : i32
    %swap3A_275 = arith.index_cast %swap3A_274 : i32 to index
    %swap3A_276 = arith.constant 64 : index
    %swap3A_277 = tpu.vector_load %arg6[%swap3A_275, %swap3A_276] {strides = array<i32>} : memref<2x128xi32, #tpu.memory_space<vmem>>, vector<1x16xi32>,
    %swap3A_278 = vector.shape_cast %swap3A_277 : vector<1x16xi32> to vector<16xi32>
    %swap3A_279 = vector.shape_cast %add3A_273 : vector<16xi32> to vector<1x16xi32>
    tpu.vector_store %arg6[%swap3A_275, %swap3A_276], %swap3A_279 {strides = array<i32>} : memref<2x128xi32, #tpu.memory_space<vmem>>, vector<1x16xi32>,
    %swap3A_280 = arith.constant 64 : index
    %swap3A_281 = tpu.vector_load %arg7[%swap3A_280] {strides = array<i32>} : memref<128xf32, #tpu.memory_space<vmem>>, vector<16xf32>,
    %swap3A_282 = vector.shape_cast %swap3A_281 : vector<16xf32> to vector<16xf32>
    %swap3A_283 = vector.shape_cast %broadcast_in_dim3A_12 : vector<16xf32> to vector<16xf32>
    tpu.vector_store %arg7[%swap3A_280], %swap3A_283 {strides = array<i32>} : memref<128xf32, #tpu.memory_space<vmem>>, vector<16xf32>,
    %get3A_284 = arith.constant 208 : index
    %get3A_285 = tpu.vector_load %arg4[%get3A_284] {strides = array<i32>} : memref<256xi32, #tpu.memory_space<vmem>>, vector<16xi32>,
    %get3A_286 = vector.shape_cast %get3A_285 : vector<16xi32> to vector<16xi32>
    %add3A_287 = arith.constant 208 : i32
    %add3A_288 = arith.addi %mul3A_2, %add3A_287 : i32
    %add3A_289 = vector.broadcast %add3A_288 : i32 to vector<16xi32>
    %add3A_290 = arith.addi %add3A_289, %iota3A : vector<16xi32>
    %mul3A_291 = arith.constant 64 : i32
    %mul3A_292 = vector.broadcast %mul3A_291 : i32 to vector<16xi32>
    %mul3A_293 = arith.muli %add3A_290, %mul3A_292 : vector<16xi32>
    %add3A_294 = arith.addi %mul3A_293, %get3A_286 : vector<16xi32>
    %swap3A_295 = arith.constant 1 : i32
    %swap3A_296 = arith.index_cast %swap3A_295 : i32 to index
    %swap3A_297 = arith.constant 80 : index
    %swap3A_298 = tpu.vector_load %arg6[%swap3A_296, %swap3A_297] {strides = array<i32>} : memref<2x128xi32, #tpu.memory_space<vmem>>, vector<1x16xi32>,
    %swap3A_299 = vector.shape_cast %swap3A_298 : vector<1x16xi32> to vector<16xi32>
    %swap3A_300 = vector.shape_cast %add3A_294 : vector<16xi32> to vector<1x16xi32>
    tpu.vector_store %arg6[%swap3A_296, %swap3A_297], %swap3A_300 {strides = array<i32>} : memref<2x128xi32, #tpu.memory_space<vmem>>, vector<1x16xi32>,
    %swap3A_301 = arith.constant 80 : index
    %swap3A_302 = tpu.vector_load %arg7[%swap3A_301] {strides = array<i32>} : memref<128xf32, #tpu.memory_space<vmem>>, vector<16xf32>,
    %swap3A_303 = vector.shape_cast %swap3A_302 : vector<16xf32> to vector<16xf32>
    %swap3A_304 = vector.shape_cast %broadcast_in_dim3A_12 : vector<16xf32> to vector<16xf32>
    tpu.vector_store %arg7[%swap3A_301], %swap3A_304 {strides = array<i32>} : memref<128xf32, #tpu.memory_space<vmem>>, vector<16xf32>,
    %get3A_305 = arith.constant 224 : index
    %get3A_306 = tpu.vector_load %arg4[%get3A_305] {strides = array<i32>} : memref<256xi32, #tpu.memory_space<vmem>>, vector<16xi32>,
    %get3A_307 = vector.shape_cast %get3A_306 : vector<16xi32> to vector<16xi32>
    %add3A_308 = arith.constant 224 : i32
    %add3A_309 = arith.addi %mul3A_2, %add3A_308 : i32
    %add3A_310 = vector.broadcast %add3A_309 : i32 to vector<16xi32>
    %add3A_311 = arith.addi %add3A_310, %iota3A : vector<16xi32>
    %mul3A_312 = arith.constant 64 : i32
    %mul3A_313 = vector.broadcast %mul3A_312 : i32 to vector<16xi32>
    %mul3A_314 = arith.muli %add3A_311, %mul3A_313 : vector<16xi32>
    %add3A_315 = arith.addi %mul3A_314, %get3A_307 : vector<16xi32>
    %swap3A_316 = arith.constant 1 : i32
    %swap3A_317 = arith.index_cast %swap3A_316 : i32 to index
    %swap3A_318 = arith.constant 96 : index
    %swap3A_319 = tpu.vector_load %arg6[%swap3A_317, %swap3A_318] {strides = array<i32>} : memref<2x128xi32, #tpu.memory_space<vmem>>, vector<1x16xi32>,
    %swap3A_320 = vector.shape_cast %swap3A_319 : vector<1x16xi32> to vector<16xi32>
    %swap3A_321 = vector.shape_cast %add3A_315 : vector<16xi32> to vector<1x16xi32>
    tpu.vector_store %arg6[%swap3A_317, %swap3A_318], %swap3A_321 {strides = array<i32>} : memref<2x128xi32, #tpu.memory_space<vmem>>, vector<1x16xi32>,
    %swap3A_322 = arith.constant 96 : index
    %swap3A_323 = tpu.vector_load %arg7[%swap3A_322] {strides = array<i32>} : memref<128xf32, #tpu.memory_space<vmem>>, vector<16xf32>,
    %swap3A_324 = vector.shape_cast %swap3A_323 : vector<16xf32> to vector<16xf32>
    %swap3A_325 = vector.shape_cast %broadcast_in_dim3A_12 : vector<16xf32> to vector<16xf32>
    tpu.vector_store %arg7[%swap3A_322], %swap3A_325 {strides = array<i32>} : memref<128xf32, #tpu.memory_space<vmem>>, vector<16xf32>,
    %get3A_326 = arith.constant 240 : index
    %get3A_327 = tpu.vector_load %arg4[%get3A_326] {strides = array<i32>} : memref<256xi32, #tpu.memory_space<vmem>>, vector<16xi32>,
    %get3A_328 = vector.shape_cast %get3A_327 : vector<16xi32> to vector<16xi32>
    %add3A_329 = arith.constant 240 : i32
    %add3A_330 = arith.addi %mul3A_2, %add3A_329 : i32
    %add3A_331 = vector.broadcast %add3A_330 : i32 to vector<16xi32>
    %add3A_332 = arith.addi %add3A_331, %iota3A : vector<16xi32>
    %mul3A_333 = arith.constant 64 : i32
    %mul3A_334 = vector.broadcast %mul3A_333 : i32 to vector<16xi32>
    %mul3A_335 = arith.muli %add3A_332, %mul3A_334 : vector<16xi32>
    %add3A_336 = arith.addi %mul3A_335, %get3A_328 : vector<16xi32>
    %swap3A_337 = arith.constant 1 : i32
    %swap3A_338 = arith.index_cast %swap3A_337 : i32 to index
    %swap3A_339 = arith.constant 112 : index
    %swap3A_340 = tpu.vector_load %arg6[%swap3A_338, %swap3A_339] {strides = array<i32>} : memref<2x128xi32, #tpu.memory_space<vmem>>, vector<1x16xi32>,
    %swap3A_341 = vector.shape_cast %swap3A_340 : vector<1x16xi32> to vector<16xi32>
    %swap3A_342 = vector.shape_cast %add3A_336 : vector<16xi32> to vector<1x16xi32>
    tpu.vector_store %arg6[%swap3A_338, %swap3A_339], %swap3A_342 {strides = array<i32>} : memref<2x128xi32, #tpu.memory_space<vmem>>, vector<1x16xi32>,
    %swap3A_343 = arith.constant 112 : index
    %swap3A_344 = tpu.vector_load %arg7[%swap3A_343] {strides = array<i32>} : memref<128xf32, #tpu.memory_space<vmem>>, vector<16xf32>,
    %swap3A_345 = vector.shape_cast %swap3A_344 : vector<16xf32> to vector<16xf32>
    %swap3A_346 = vector.shape_cast %broadcast_in_dim3A_12 : vector<16xf32> to vector<16xf32>
    tpu.vector_store %arg7[%swap3A_343], %swap3A_346 {strides = array<i32>} : memref<128xf32, #tpu.memory_space<vmem>>, vector<16xf32>,
    %dma_start3A = arith.constant 0 : i32
    %dma_start3A_347 = arith.constant 0 : i32
    %dma_start3A_348 = tpu.memref_slice %arg6[%dma_start3A, %dma_start3A_347] : memref<2x128xi32, #tpu.memory_space<vmem>> -> memref<1x128xi32, #tpu.memory_space<vmem>>
    %dma_start3A_349 = tpu.memref_squeeze %dma_start3A_348 : memref<1x128xi32, #tpu.memory_space<vmem>> -> memref<128xi32, #tpu.memory_space<vmem>>
    %dma_start3A_350 = arith.constant 0 : i32
    %dma_start3A_351 = tpu.memref_slice %arg3[%dma_start3A_350] : memref<524288xf32, #tpu.memory_space<hbm>> -> memref<524288xf32, #tpu.memory_space<hbm>>
    tpu.enqueue_indirect_dma source(%arg7 : memref<128xf32, #tpu.memory_space<vmem>>) target(%dma_start3A_351 : memref<524288xf32, #tpu.memory_space<hbm>>) offsets(%dma_start3A_349 : memref<128xi32, #tpu.memory_space<vmem>>) semaphore(%arg8 : memref<!tpu.dma_semaphore, #tpu.memory_space<semaphore_mem>>)
    %dma_wait3A = arith.constant 0 : i32
    %dma_wait3A_352 = arith.constant 0 : i32
    %dma_wait3A_353 = tpu.memref_slice %arg6[%dma_wait3A, %dma_wait3A_352] : memref<2x128xi32, #tpu.memory_space<vmem>> -> memref<1x128xi32, #tpu.memory_space<vmem>>
    %dma_wait3A_354 = tpu.memref_squeeze %dma_wait3A_353 : memref<1x128xi32, #tpu.memory_space<vmem>> -> memref<128xi32, #tpu.memory_space<vmem>>
    %dma_wait3A_355 = arith.constant 0 : i32
    %dma_wait3A_356 = tpu.memref_slice %arg3[%dma_wait3A_355] : memref<524288xf32, #tpu.memory_space<hbm>> -> memref<524288xf32, #tpu.memory_space<hbm>>
    tpu.wait_indirect_dma semaphore(%arg8 : memref<!tpu.dma_semaphore, #tpu.memory_space<semaphore_mem>>) src(%arg7 : memref<128xf32, #tpu.memory_space<vmem>>) dst(%dma_wait3A_356 : memref<524288xf32, #tpu.memory_space<hbm>>)
    %dma_start3A_357 = arith.constant 1 : i32
    %dma_start3A_358 = arith.constant 0 : i32
    %dma_start3A_359 = tpu.memref_slice %arg6[%dma_start3A_357, %dma_start3A_358] : memref<2x128xi32, #tpu.memory_space<vmem>> -> memref<1x128xi32, #tpu.memory_space<vmem>>
    %dma_start3A_360 = tpu.memref_squeeze %dma_start3A_359 : memref<1x128xi32, #tpu.memory_space<vmem>> -> memref<128xi32, #tpu.memory_space<vmem>>
    %dma_start3A_361 = arith.constant 0 : i32
    %dma_start3A_362 = tpu.memref_slice %arg3[%dma_start3A_361] : memref<524288xf32, #tpu.memory_space<hbm>> -> memref<524288xf32, #tpu.memory_space<hbm>>
    tpu.enqueue_indirect_dma source(%arg7 : memref<128xf32, #tpu.memory_space<vmem>>) target(%dma_start3A_362 : memref<524288xf32, #tpu.memory_space<hbm>>) offsets(%dma_start3A_360 : memref<128xi32, #tpu.memory_space<vmem>>) semaphore(%arg8 : memref<!tpu.dma_semaphore, #tpu.memory_space<semaphore_mem>>)
    %dma_wait3A_363 = arith.constant 1 : i32
    %dma_wait3A_364 = arith.constant 0 : i32
    %dma_wait3A_365 = tpu.memref_slice %arg6[%dma_wait3A_363, %dma_wait3A_364] : memref<2x128xi32, #tpu.memory_space<vmem>> -> memref<1x128xi32, #tpu.memory_space<vmem>>
    %dma_wait3A_366 = tpu.memref_squeeze %dma_wait3A_365 : memref<1x128xi32, #tpu.memory_space<vmem>> -> memref<128xi32, #tpu.memory_space<vmem>>
    %dma_wait3A_367 = arith.constant 0 : i32
    %dma_wait3A_368 = tpu.memref_slice %arg3[%dma_wait3A_367] : memref<524288xf32, #tpu.memory_space<hbm>> -> memref<524288xf32, #tpu.memory_space<hbm>>
    tpu.wait_indirect_dma semaphore(%arg8 : memref<!tpu.dma_semaphore, #tpu.memory_space<semaphore_mem>>) src(%arg7 : memref<128xf32, #tpu.memory_space<vmem>>) dst(%dma_wait3A_368 : memref<524288xf32, #tpu.memory_space<hbm>>)
    return
  }
}

module attributes {stable_mosaic.version = 14 : i64} {
  func.func @_argmax_kernel(%arg0: i32, %arg1: memref<512x4096xf32, #tpu.memory_space<vmem>>, %arg2: memref<4096x64xf32, #tpu.memory_space<vmem>>, %arg3: memref<1x64xf32, #tpu.memory_space<vmem>>, %arg4: memref<512x1xi32, #tpu.memory_space<vmem>>) attributes {dimension_semantics = [#tpu.dimension_semantics<arbitrary>], iteration_bounds = array<i64: 16>, scalar_prefetch = 0 : i64, scratch_operands = 0 : i64, tpu.core_type = #tpu.core_type<tc>, window_params = [{transform_indices = @transform_0, window_bounds = array<i64: 512, 4096>}, {pipeline_mode = #tpu.pipeline_mode<synchronous>, transform_indices = @transform_1, window_bounds = array<i64: 4096, 64>}, {pipeline_mode = #tpu.pipeline_mode<synchronous>, transform_indices = @transform_2, window_bounds = array<i64: 1, 64>}, {transform_indices = @transform_3, window_bounds = array<i64: 512, 1>}]} {
    %get3A = arith.constant 0 : index
    %get3A_0 = arith.constant 0 : index
    %get3A_1 = vector.load %arg1[%get3A, %get3A_0] : memref<512x4096xf32, #tpu.memory_space<vmem>>, vector<512x4096xf32>
    %get3A_2 = arith.constant 0 : index
    %get3A_3 = arith.constant 0 : index
    %get3A_4 = vector.load %arg2[%get3A_2, %get3A_3] : memref<4096x64xf32, #tpu.memory_space<vmem>>, vector<4096x64xf32>
    %dot_general3A = arith.constant dense<0.000000e+00> : vector<512x64xf32>
    %dot_general3A_5 = tpu.matmul %get3A_1, %get3A_4, %dot_general3A {dimension_numbers = #tpu.dot_dimension_numbers<[1], [0], [0], [1], [0, 0, 1, 1], [], []>, transpose_lhs_hint = false} : vector<512x4096xf32>, vector<4096x64xf32>, vector<512x64xf32> -> vector<512x64xf32>
    %get3A_6 = arith.constant 0 : index
    %get3A_7 = arith.constant 0 : index
    %get3A_8 = vector.load %arg3[%get3A_6, %get3A_7] : memref<1x64xf32, #tpu.memory_space<vmem>>, vector<1x64xf32>
    %add3A = vector.broadcast %get3A_8 : vector<1x64xf32> to vector<512x64xf32>
    %add3A_9 = arith.addf %dot_general3A_5, %add3A : vector<512x64xf32>
    %reduce_max3A = arith.constant dense<0xFF800000> : vector<512xf32>
    %reduce_max3A_10 = vector.multi_reduction <maximumf>, %add3A_9, %reduce_max3A [1] : vector<512x64xf32> to vector<512xf32>
    %broadcast_in_dim3A = vector.shape_cast %reduce_max3A_10 : vector<512xf32> to vector<512x1xf32>
    %iota3A = tpu.iota {dimensions = array<i32: 1>} : vector<512x64xi32>
    %eq3A = vector.broadcast %broadcast_in_dim3A : vector<512x1xf32> to vector<512x64xf32>
    %eq3A_11 = arith.cmpf oeq, %add3A_9, %eq3A : vector<512x64xf32>
    %jit3A = arith.constant 64 : i32
    %broadcast_in_dim3A_12 = vector.broadcast %jit3A : i32 to vector<512x64xi32>
    %select_n3A = arith.select %eq3A_11, %iota3A, %broadcast_in_dim3A_12 : vector<512x64xi1>, vector<512x64xi32>
    %reduce_min3A = arith.constant dense<2147483647> : vector<512xi32>
    %reduce_min3A_13 = vector.multi_reduction <minsi>, %select_n3A, %reduce_min3A [1] : vector<512x64xi32> to vector<512xi32>
    %broadcast_in_dim3A_14 = vector.shape_cast %reduce_min3A_13 : vector<512xi32> to vector<512x1xi32>
    %swap3A = arith.constant 0 : index
    %swap3A_15 = arith.constant 0 : index
    %swap3A_16 = vector.load %arg4[%swap3A, %swap3A_15] : memref<512x1xi32, #tpu.memory_space<vmem>>, vector<512x1xi32>
    tpu.vector_store %arg4[%swap3A, %swap3A_15], %broadcast_in_dim3A_14 {strides = array<i32>} : memref<512x1xi32, #tpu.memory_space<vmem>>, vector<512x1xi32>,
    return
  }
  func.func @transform_0(%arg0: i32) -> (i32, i32) {
    %c0_i32 = arith.constant 0 : i32
    %c0_i32_0 = arith.constant 0 : i32
    return %arg0, %c0_i32 : i32, i32
  }
  func.func @transform_1(%arg0: i32) -> (i32, i32) {
    %c0_i32 = arith.constant 0 : i32
    %c0_i32_0 = arith.constant 0 : i32
    %c0_i32_1 = arith.constant 0 : i32
    return %c0_i32, %c0_i32_0 : i32, i32
  }
  func.func @transform_2(%arg0: i32) -> (i32, i32) {
    %c0_i32 = arith.constant 0 : i32
    %c0_i32_0 = arith.constant 0 : i32
    %c0_i32_1 = arith.constant 0 : i32
    return %c0_i32, %c0_i32_0 : i32, i32
  }
  func.func @transform_3(%arg0: i32) -> (i32, i32) {
    %c0_i32 = arith.constant 0 : i32
    %c0_i32_0 = arith.constant 0 : i32
    return %arg0, %c0_i32 : i32, i32
  }
}

</mosaic_0001>

<sc_bundles>
// kernel: kernel.4.cloned.1.call-start
scs
__scs_entry_jumppad:
0x0: {  	(pc) =	sbr.rel $0x88, $3  }
0x1: {  	(tag) =	ssettag $0x0;
	lr =	simm.s32 $0x1  }
0x2: {  	[smem:$0x3F9E] =	sst lr;
	_ =	strace $0xD0000000  }
0x3: {  	_ = 	snop  }
0x4: {  	_ = 	snop  }
0x5: {  	_ = 	snop  }
0x6: {  	_ = 	snop  }
0x7: {  	_ = 	snop  }
__scs_overlays_trampoline_lowered:
0x8: {  	[smem:$0x3FAD] =	sst s0  }
0x9: {  	[smem:$0x3FAE] =	sst s1  }
0xa: {  	[smem:$0x3FAF] =	sst s2  }
0xb: {  	[smem:$0x3FB0] =	sst s3  }
0xc: {  	[smem:$0x3FB1] =	sst s4  }
0xd: {  	[smem:$0x3FB2] =	sst s5  }
0xe: {  	[smem:$0x3FB3] =	sst s6  }
0xf: {  	[smem:$0x3FB4] =	sst s7  }
0x10: {  	[smem:$0x3FB5] =	sst s8  }
0x11: {  	[smem:$0x3FB6] =	sst s9;
	s0 =	simm.s32 @!p0 $0x0  }
0x12: {  	s1 =	sld [smem:$0x3F9C];
	s0 =	simm.s32 @p0 $0x1  }
0x13: {  	[smem:$0x3FB7] =	sst s0;
	s0 =	simm.s32 @!p1 $0x0  }
0x14: {  	s2 =	sld [smem:$0x3F9B];
	s0 =	simm.s32 @p1 $0x1  }
0x15: {  	[smem:$0x3FB8] =	sst s0;
	s0 =	simm.s32 @!p2 $0x0  }
0x16: {  	s3 =	sld [smem:$0x3FDB];
	s0 =	simm.s32 @p2 $0x1  }
0x17: {  	s4 =	simm.s32 $0x1BF5;
	[smem:$0x3FBA] =	sst s0  }
0x18: {  	s0 =	sld [smem:$0x3F9D];
	_ =	swait.ge [sflag:s4], $0x0  }
0x19: {  	s7 =	sld [smem:$0x3F9E]  }
0x1a: {  	s8 =	sadd.s32 $0xFFFFE003, lr  }
0x1b: {  	s9 =	sadd.s32 $0xFFFFFEF7, lr;
	s5 =	simm.s32 $0xFFFFFFFF;
	p2 =	slt.u32 s8, $0xFFFFF086  }
0x1c: {  	p1 =	slt.u32 s9, $0xF7A;
	s5 =	simm.s32 @!p2 $0x0  }
0x1d: {  	s5 =	simm.s32 @p1 $0x1;
	p0 =	seq.s32 s7, s2  }
0x1e: {  	s7 =	smul.u32 @!p0 $0xF7A, s2;
	p2 =	seq.s32 @!p0 s5, $0x0  }
0x1f: {  	s9 =	smul.u32 $0xF7A, s1;
	s8 =	simm.s32 @!p0 $0x1BF5;
	p2 =	por !p2, p0  }
0x20: {  	[sflag:s8] =	ssyncset.s32 @!p0 $0xFFFFF086;
	s6 =	sadd.s32 @!p0 s3, s7;
	s7 =	simm.s32 @!p0 $0x108  }
0x21: {  	s3 =	sadd.s32 s3, s9;
	s6 =	sadd.s32 @!p0 $0x88, s6;
	s7 =	simm.s32 @p2 $0x1082  }
0x22: {  	[simem:s7], [sflag:s8] =	dma.local @!p0 [hbm:s6], $0xF7A  }
0x23: {  	s9 =	sor.u32 $0xD0000000, s2;
	s6 =	simm.s32 $0x108;
	_ =	swait.ge @!p0 [sflag:s8], $0x0  }
0x24: {  	s3 =	sadd.s32 $0x88, s3;
	s6 =	simm.s32 @!p1 $0x1082;
	[sflag:s4] =	ssyncset.s32 $0xFFFFF086  }
0x25: {  	[simem:s6], [sflag:s4] =	dma.local [hbm:s3], $0xF7A  }
0x26: {  	[smem:$0x3F9E] =	sst s1;
	(tag) =	ssettag s2;
	_ =	strace s9  }
0x27: {  	s1 =	sld [smem:$0x3FAE]  }
0x28: {  	s2 =	sld [smem:$0x3FAF]  }
0x29: {  	s4 =	sld [smem:$0x3FB1]  }
0x2a: {  	p0 =	seq.s32 s5, $0x0;
	s5 =	sld [smem:$0x3FB2]  }
0x2b: {  	s6 =	sld [smem:$0x3FB3]  }
0x2c: {  	s7 =	sld [smem:$0x3FB4]  }
0x2d: {  	s3 =	simm.s32 $0x108;
	s8 =	sld [smem:$0x3FB5]  }
0x2e: {  	s3 =	simm.s32 @!p0 $0x1082;
	s9 =	sld [smem:$0x3FB6]  }
0x2f: {  	lr =	sadd.s32 s0, s3;
	s0 =	sld [smem:$0x3FAD]  }
0x30: {  	s3 =	sld [smem:$0x3FB0]  }
0x31: {  	[smem:$0x3FB9] =	sst s10  }
0x32: {  	s10 =	sld [smem:$0x3FB7];
	_ =	sdelay $0x3  }
0x33: {  	p0 =	seq.s32 s10, $0x1;
	s10 =	sld [smem:$0x3FB9];
	_ =	sdelay $0x3  }
0x34: {  	[smem:$0x3FB9] =	sst s10  }
0x35: {  	s10 =	sld [smem:$0x3FB8];
	_ =	sdelay $0x3  }
0x36: {  	p1 =	seq.s32 s10, $0x1;
	s10 =	sld [smem:$0x3FB9];
	_ =	sdelay $0x3  }
0x37: {  	[smem:$0x3FB9] =	sst s10  }
0x38: {  	s10 =	sld [smem:$0x3FBA]  }
0x39: {  	_ = 	snop;
	(pc) =	sbr.ind lr, $3  }
0x3a: {  	_ = 	snop  }
0x3b: {  	_ = 	snop  }
0x3c: {  	p2 =	seq.s32 s10, $0x1;
	s10 =	sld [smem:$0x3FB9]  }
0x3d: {  	_ =	shalt  }
0x3e: {  	_ =	shalt  }
0x3f: {  	_ =	shalt  }
0x40: {  	_ =	shalt  }
0x41: {  	_ =	shalt  }
0x42: {  	_ =	shalt  }
0x43: {  	_ =	shalt  }
0x44: {  	_ =	shalt  }
0x45: {  	_ =	shalt  }
0x46: {  	_ =	shalt  }
0x47: {  	_ =	shalt  }
0x48: {  	_ =	shalt  }
0x49: {  	_ =	shalt  }
0x4a: {  	_ =	shalt  }
0x4b: {  	_ =	shalt  }
0x4c: {  	_ =	shalt  }
0x4d: {  	_ =	shalt  }
0x4e: {  	_ =	shalt  }
0x4f: {  	_ =	shalt  }
0x50: {  	_ =	shalt  }
0x51: {  	_ =	shalt  }
0x52: {  	_ =	shalt  }
0x53: {  	_ =	shalt  }
0x54: {  	_ =	shalt  }
0x55: {  	_ =	shalt  }
0x56: {  	_ =	shalt  }
0x57: {  	_ =	shalt  }
0x58: {  	_ =	shalt  }
0x59: {  	_ =	shalt  }
0x5a: {  	_ =	shalt  }
0x5b: {  	_ =	shalt  }
0x5c: {  	_ =	shalt  }
0x5d: {  	_ =	shalt  }
0x5e: {  	_ =	shalt  }
0x5f: {  	_ =	shalt  }
0x60: {  	_ =	shalt  }
0x61: {  	_ =	shalt  }
0x62: {  	_ =	shalt  }
0x63: {  	_ =	shalt  }
0x64: {  	_ =	shalt  }
0x65: {  	_ =	shalt  }
0x66: {  	_ =	shalt  }
0x67: {  	_ =	shalt  }
0x68: {  	_ =	shalt  }
0x69: {  	_ =	shalt  }
0x6a: {  	_ =	shalt  }
0x6b: {  	_ =	shalt  }
0x6c: {  	_ =	shalt  }
0x6d: {  	_ =	shalt  }
0x6e: {  	_ =	shalt  }
0x6f: {  	_ =	shalt  }
0x70: {  	_ =	shalt  }
0x71: {  	_ =	shalt  }
0x72: {  	_ =	shalt  }
0x73: {  	_ =	shalt  }
0x74: {  	_ =	shalt  }
0x75: {  	_ =	shalt  }
0x76: {  	_ =	shalt  }
0x77: {  	_ =	shalt  }
0x78: {  	_ =	shalt  }
0x79: {  	_ =	shalt  }
0x7a: {  	_ =	shalt  }
0x7b: {  	_ =	shalt  }
0x7c: {  	_ =	shalt  }
0x7d: {  	_ =	shalt  }
0x7e: {  	_ =	shalt  }
0x7f: {  	_ =	shalt  }
0x80: {  	_ =	shalt  }
0x81: {  	_ =	shalt  }
0x82: {  	_ =	shalt  }
0x83: {  	_ =	shalt  }
0x84: {  	_ =	shalt  }
0x85: {  	_ =	shalt  }
0x86: {  	_ =	shalt  }
0x87: {  	_ =	shalt  }
.Lfunc_end0:
.L_simem_size_0:
called_computation_lowered:
.L_overlay_start_0:
0x88: {  	s2 =	sld [smem:$0x3FD9]  }
0x89: {  	s3 =	sld [smem:$0x3FFE];
	_ =	sdelay $0x1  }
0x8a: {  	s1 =	srdreg.scid  }
0x8b: {  	s0 =	sand.u32 $0x1, s1  }
0x8c: {  	s17 =	sshll.u32 s0, $0xA;
	s2 =	sadd.s32 s3, s2  }
0x8d: {  	s2 =	sadd.s32 s2, s17  }
0x8e: {  	[smem:$0x3FC5] =	sst s2  }
0x8f: {  	_ = 	snop  }
0x90: {  	s2 =	sld [smem:$0x3FD0];
	(tm) =	ssettm $0x1  }
0x91: {  	s18 =	sld [smem:$0x3FFB];
	_ =	sdelay $0x3  }
0x92: {  	_ =	strace s18  }
0x93: {  	s3 =	sld [smem:$0x3FFC];
	_ =	sdelay $0x3  }
0x94: {  	_ =	strace s3  }
0x95: {  	s3 =	sld [smem:$0x3FFD];
	_ =	sdelay $0x3  }
0x96: {  	_ =	strace s3  }
0x97: {  	_ =	strace $0x8FFFFFFF  }
0x98: {  	s19 =	sld [smem:$0x3FDB];
	_ =	sdelay $0x1  }
0x99: {  	s4 =	simm.s32 $_scs_section_size  }
0x9a: {  	s5 =	simm.s32 $_size__tile_overlayer_lowered;
	s6 =	simm.s32 $_tile_overlayer_lowered  }
0x9b: {  	s22 =	simm.s32 $0x1BFF;
	s21 =	sshll.u32 s6, $0x1;
	s3 =	sadd.s32 s4, s19  }
0x9c: {  	s7 =	simm.s32 $0x0;
	s20 =	sshll.u32 s5, $0x1;
	s5 =	sadd.s32 s21, s3  }
0x9d: {  	[timem:s7], [sflag:s22] =	dma.local [hbm:s5], s20  }
0x9e: {  	_ =	swait.ge [sflag:s22], s20  }
0x9f: {  	s4 =	ssub.s32 $0x0, s20;
	[sflag:s22] =	ssyncset.done $0x0  }
0xa0: {  	[sflag:s22] =	ssyncadd.s32 s4;
	_ =	sdelay $0x1  }
0xa1: {  	s23 =	simm.s32 $0x1B8B  }
0xa2: {  	_ =	swait.ge [sflag:s23], $0x1  }
0xa3: {  	[sflag:s23] =	ssyncset.done $0x0  }
0xa4: {  	s25 =	simm.s32 $0x1B8E;
	s24 =	sld [smem:$0x3FFE];
	[sflag:s23] =	ssyncadd.s32 $0xFFFFFFFF  }
0xa5: {  	s26 =	simm.s32 $execute0_lowered;
	[smem:$0x3FD2] =	sst s25  }
0xa6: {  	s5 =	sshll.u32 s26, $0x1;
	_ =	strace $0x80000046;
	[dreg:$0x1] =	wrdreg $0xFFFFFFFF  }
0xa7: {  	s28 =	simm.s32 $_size_execute0_lowered;
	s3 =	sadd.s32 s3, s5;
	[dreg:$0x0] =	wrdreg $0x0  }
0xa8: {  	s5 =	sshll.u32 s28, $0x1;
	[dreg:$0x2] =	wrdreg s3  }
0xa9: {  	[dreg:$0x3] =	wrdreg s5  }
0xaa: {  	[dreg:$0x4] =	wrdreg $0xC0  }
0xab: {  	_ =	task [dreg:s7], $0x5FFFF  }
0xac: {  	[dreg:$0x1] =	wrdreg $0xFFFFFFFF  }
0xad: {  	[dreg:$0x0] =	wrdreg $0x60  }
0xae: {  	[dreg:$0x2] =	wrdreg s24  }
0xaf: {  	[dreg:$0x3] =	wrdreg s2  }
0xb0: {  	[dreg:$0x4] =	wrdreg $0x9  }
0xb1: {  	_ =	task.clear_ibuf [dreg:s7], $0x5FFFF;
	_ =	strace $0x90000046  }
0xb2: {  	s29 =	simm.s32 $0x9;
	_ =	strace $0x80000048  }
0xb3: {  	_ =	swait.ge [sflag:s29], $0x1  }
0xb4: {  	[sflag:s29] =	ssyncadd.s32 $0xFFFFFFFF  }
0xb5: {  	_ =	strace $0x90000048  }
0xb6: {  	_ =	sfence  }
0xb7: {  	s30 =	sld [smem:$0x0];
	_ =	sdelay $0x2  }
0xb8: {  	s31 =	sshll.u32 s1, $0xD;
	s1 =	sshrl.u32 s1, $0x2  }
0xb9: {  	s3 =	sand.u32 $0x4000, s31;
	s1 =	sadd.s32 s1, s30  }
0xba: {  	s0 =	sor.u32 s3, s0;
	s1 =	sshll.u32 s1, $0x11  }
0xbb: {  	s0 =	sor.u32 s1, s0  }
0xbc: {  	s0 =	sadd.s32 $0x8F2B, s0  }
0xbd: {  	[sflag:s0] =	ssyncadd.remote.s32 $0x1  }
0xbe: {  	_ =	sfence.sel $0xFFFF  }
0xbf: {  	[dreg:$0x0] =	wrdreg $0xFFFFFFFF;
	(pc) =	sbr.abs _section_cstart, $3  }
0xc0: {  	[dreg:$0x1] =	wrdreg $0xFFFFFFFF  }
0xc1: {  	_ =	task.clear_ibuf [dreg:s7], $0x2FFFF;
	_ =	strace $0x9FFFFFFF  }
0xc2: {  	(tm) =	ssettm $0x7FFFFFFF  }
0xc3: {  	_ =	shalt  }
tec
execute0_lowered:
.L_overlay_start_1:
0x0: {  	(tag) =	ssettag $0x1  }
0x1: {  	s1 =	srdreg.scid;
	s0 =	stileid.u32  }
0x2: {  	s4 =	sand.u32 $0x1, s1;
	s18 =	sshll.u32 s0, $0x1  }
0x3: {  	s5 =	sor.u32 s4, s18  }
0x4: {  	v0 =	vlaneseq.u32;
	s6 =	sshll.u32 s5, $0x8  }
0x5: {  	v17 =	vimm.f32 $1.000000000e+00;
	v15 =	vmul.u32 $0x40, v0;
	v1 =	vmov s6;
	s19 =	sor.u32 $0x10, s6;
	s2 =	sor.u32 $0x20, s6  }
0x6: {  	s20 =	sor.u32 $0x30, s6;
	s21 =	sor.u32 $0x40, s6;
	s22 =	sor.u32 $0x50, s6;
	v0 =	vshll.u32 v1, $0x6;
	v1 =	vmov s19;
	v2 =	vmov s2  }
0x7: {  	s23 =	sor.u32 $0x60, s6;
	s8 =	sor.u32 $0x70, s6;
	s9 =	sor.u32 $0x80, s6;
	v3 =	vmov s20;
	v4 =	vmov s21;
	v5 =	vmov s22  }
0x8: {  	s24 =	sor.u32 $0x90, s6;
	s25 =	sor.u32 $0xA0, s6;
	s26 =	sor.u32 $0xB0, s6;
	v6 =	vmov s23;
	v7 =	vmov s8;
	v8 =	vmov s9  }
0x9: {  	s28 =	sor.u32 $0xC0, s6;
	s30 =	sor.u32 $0xD0, s6;
	s31 =	sor.u32 $0xE0, s6;
	v9 =	vmov s24;
	v10 =	vmov s25;
	v11 =	vmov s26  }
0xa: {  	s6 =	sor.u32 $0xF0, s6;
	v12 =	vmov s28;
	v13 =	vmov s30;
	v14 =	vmov s31  }
0xb: {  	v16 =	vmov s6;
	v0 =	vor.u32 v15, v0;
	v1 =	vshll.u32 v1, $0x6  }
0xc: {  	v2 =	vshll.u32 v2, $0x6;
	v3 =	vshll.u32 v3, $0x6;
	v4 =	vshll.u32 v4, $0x6  }
0xd: {  	v5 =	vshll.u32 v5, $0x6;
	v6 =	vshll.u32 v6, $0x6;
	v7 =	vshll.u32 v7, $0x6  }
0xe: {  	s7 =	rddreg [dreg:$0x0];
	s3 =	simm.s32 $0x0;
	v8 =	vshll.u32 v8, $0x6;
	v9 =	vshll.u32 v9, $0x6;
	v10 =	vshll.u32 v10, $0x6  }
0xf: {  	s12 =	simm.s32 $0x1;
	s13 =	simm.s32 $0x4180;
	s1 =	rddreg [dreg:$0x2];
	v11 =	vshll.u32 v11, $0x6;
	v12 =	vshll.u32 v12, $0x6;
	v13 =	vshll.u32 v13, $0x6  }
0x10: {  	s14 =	simm.s32 $0x0;
	[smem:$0x7FF] =	sst s3;
	s4 =	ssub.s32 $0x2, s4;
	v14 =	vshll.u32 v14, $0x6;
	v16 =	vshll.u32 v16, $0x6;
	v1 =	vor.u32 v15, v1  }
0x11: {  	s10 =	sshll.u32 s5, $0x5;
	s11 =	sshrl.u32 s4, $0x1;
	s5 =	sshll.u32 s5, $0xB;
	v2 =	vor.u32 v15, v2;
	v3 =	vor.u32 v15, v3;
	v4 =	vor.u32 v15, v4  }
0x12: {  	s7 =	sadd.s32 s10, s7;
	s29 =	ssub.s32 s4, s11;
	s10 =	simm.s32 $0x4100;
	v5 =	vor.u32 v15, v5;
	v6 =	vor.u32 v15, v6;
	v7 =	vor.u32 v15, v7  }
0x13: {  	s11 =	simm.s32 $0x4200;
	s2 =	rddreg [dreg:$0x1];
	_ =	strace $0x80000047;
	v8 =	vor.u32 v15, v8;
	v9 =	vor.u32 v15, v9;
	v10 =	vor.u32 v15, v10  }
0x14: {  	s4 =	sadd.s32 $0x200, s7;
	s6 =	smax.u32 s29, $0x1;
	s7 =	simm.s32 $0x2;
	v11 =	vor.u32 v15, v11;
	v12 =	vor.u32 v15, v12;
	v13 =	vor.u32 v15, v13  }
0x15: {  	s8 =	simm.s32 $0x100;
	s9 =	simm.s32 $0x80;
	s5 =	sadd.s32 s2, s5;
	v14 =	vor.u32 v15, v14;
	v15 =	vor.u32 v15, v16;
	v16 =	vimm.f32 $0.0e+00  }
.LBB2_1:
0x16: {  	[tilespmem:s3], [sflag:$0x2] =	stream.linear.gather [hbm4b:s4+s3], $0x100, $0x38;
	[tilespmem:$0x4280] =	vst v63  }
0x17: {  	_ =	swait.ge [sflag:s7], $0x100  }
0x18: {  	[sflag:s7] =	ssyncset.done $0x0  }
0x19: {  	s15 =	simm.s32 $0x40;
	s16 =	simm.s32 $0x0;
	[sflag:s7] =	ssyncadd.s32 $0xFFFFFF00  }
.LBB2_2:
0x1a: {  	p0 =	sne.s32 s15, $0xFFC0;
	[tilespmem:s16+$0x100] =	vst v16;
	s16 =	smov.u32 s15;
	s15 =	sadd.s32 $0x40, s15  }
.Ltmp0:
0x1b: {  	(pc) =	sbr.rel @p0 .LBB2_2-.Ltmp0, $2  }
0x1c: {  	_ =	sdelay $0x2  }
0x1d: {  	s16 =	sshra.s32 s16, $0x2  }
0x1e: {  	[tilespmem:s16+$0x100] =	vst v16  }
0x1f: {  	[hbm4b:s5+s3] =	stream.linear.scatter [tilespmem:s8], [sflag:$0x2], $0x4000, $0x38;
	[tilespmem:$0x4280] =	vst v63  }
0x20: {  	_ =	swait.ge [sflag:s7], $0x4000  }
0x21: {  	[sflag:s7] =	ssyncset.done $0x0  }
0x22: {  	[sflag:s7] =	ssyncadd.s32 $0xFFFFC000  }
0x23: {  	v18 =	vld [tilespmem:$0x0]  }
0x24: {  	v19 =	vld [tilespmem:$0x10]  }
0x25: {  	v20 =	vld [tilespmem:$0x20]  }
0x26: {  	v21 =	vld [tilespmem:$0x30]  }
0x27: {  	v22 =	vld [tilespmem:$0x40]  }
0x28: {  	v23 =	vld [tilespmem:$0x50];
	[tilespmem:$0x4200] =	vst v17;
	v18 =	vadd.s32 v0, v18  }
0x29: {  	[tilespmem:$0x4100] =	vst v18;
	v18 =	vadd.s32 v1, v19;
	v19 =	vld [tilespmem:$0x60]  }
0x2a: {  	v59 =	vld [tilespmem:$0x70];
	[tilespmem:$0x4110] =	vst v18;
	v18 =	vadd.s32 v2, v20  }
0x2b: {  	v60 =	vld [tilespmem:$0x80];
	[tilespmem:$0x4120] =	vst v18;
	v18 =	vadd.s32 v3, v21  }
0x2c: {  	v61 =	vld [tilespmem:$0x90];
	[tilespmem:$0x4130] =	vst v18;
	v18 =	vadd.s32 v4, v22  }
0x2d: {  	v62 =	vld [tilespmem:$0xA0];
	[tilespmem:$0x4140] =	vst v18;
	v18 =	vadd.s32 v5, v23  }
0x2e: {  	[tilespmem:$0x4150] =	vst v18;
	v18 =	vadd.s32 v6, v19;
	v19 =	vld [tilespmem:$0xB0]  }
0x2f: {  	v63 =	vld [tilespmem:$0xC0];
	[tilespmem:$0x4160] =	vst v18;
	v18 =	vadd.s32 v7, v59  }
0x30: {  	[tilespmem:$0x4170] =	vst v18;
	v18 =	vadd.s32 v8, v60  }
0x31: {  	[tilespmem:$0x4180] =	vst v18;
	v18 =	vadd.s32 v9, v61  }
0x32: {  	[tilespmem:$0x4190] =	vst v18;
	v18 =	vadd.s32 v10, v62  }
0x33: {  	[tilespmem:$0x41A0] =	vst v18;
	v18 =	vadd.s32 v11, v19  }
0x34: {  	[tilespmem:$0x41B0] =	vst v18;
	v18 =	vadd.s32 v12, v63  }
0x35: {  	[tilespmem:$0x41C0] =	vst v18;
	v18 =	vld [tilespmem:$0xD0]  }
0x36: {  	[tilespmem:$0x4210] =	vst v17  }
0x37: {  	[tilespmem:$0x4220] =	vst v17  }
0x38: {  	[tilespmem:$0x4230] =	vst v17  }
0x39: {  	[tilespmem:$0x4240] =	vst v17  }
0x3a: {  	[tilespmem:$0x4250] =	vst v17;
	v18 =	vadd.s32 v13, v18  }
0x3b: {  	[tilespmem:$0x41D0] =	vst v18;
	v18 =	vld [tilespmem:$0xE0]  }
0x3c: {  	[tilespmem:$0x4260] =	vst v17  }
0x3d: {  	[tilespmem:$0x4270] =	vst v17  }
0x3e: {  	[tilespmem:$0x4200] =	vst v17  }
0x3f: {  	[tilespmem:$0x4210] =	vst v17  }
0x40: {  	[tilespmem:$0x4220] =	vst v17;
	v18 =	vadd.s32 v14, v18  }
0x41: {  	[tilespmem:$0x41E0] =	vst v18;
	v18 =	vld [tilespmem:$0xF0]  }
0x42: {  	[tilespmem:$0x4230] =	vst v17  }
0x43: {  	[tilespmem:$0x4240] =	vst v17  }
0x44: {  	[tilespmem:$0x4250] =	vst v17  }
0x45: {  	[tilespmem:$0x4260] =	vst v17  }
0x46: {  	[tilespmem:$0x4270] =	vst v17;
	v18 =	vadd.s32 v15, v18  }
0x47: {  	[tilespmem:$0x41F0] =	vst v18  }
0x48: {  	[hbm4b:s2+s9] =	stream.indirect.scatter [tilespmem:s11], [sflag:$0x1], $0x1, s10, s9, $0xb8;
	[tilespmem:$0x4280] =	vst v63  }
0x49: {  	s14 =	sadd.s32 $0x1, s14;
	_ =	swait.ge [sflag:s12], $0x80  }
0x4a: {  	p0 =	sne.s32 s14, s6;
	[sflag:s12] =	ssyncset.done $0x0  }
.Ltmp1:
0x4b: {  	[sflag:s12] =	ssyncadd.s32 $0xFFFFFF80;
	(pc) =	sbr.rel @p0 .LBB2_1-.Ltmp1, $4  }
0x4c: {  	[hbm4b:s2+s9] =	stream.indirect.scatter [tilespmem:s11], [sflag:$0x1], $0x1, s13, s9, $0xb8;
	[tilespmem:$0x4280] =	vst v63  }
0x4d: {  	_ =	swait.ge [sflag:s12], $0x80  }
0x4e: {  	[sflag:s12] =	ssyncset.done $0x0  }
0x4f: {  	[sflag:s12] =	ssyncadd.s32 $0xFFFFFF80  }
0x50: {  	_ =	sfence.sel $0x180000  }
0x51: {  	[bflag:$0x0] =	sbarrier.arrive $0xFFFF  }
0x52: {  	p0 =	sne.s32 s0, $0x0;
	_ =	strace $0x90000047  }
0x53: {  	s0 =	sadd.s32 @!p0 $0x100000, s1;
	[bflag:$0x2] =	sbarrier.arrive $0xFFFF  }
0x54: {  	[sflag:s0] =	ssyncadd.tile.s32 @!p0 $0x1;
	_ =	shalt  }
.Lfunc_end2:
_tile_overlayer_lowered:
.L_overlay_start_2:
0x55: {  	(tag) =	ssettag $0x2  }
0x56: {  	s0 =	rddreg [dreg:$0x0];
	s2 =	stileid.u32  }
0x57: {  	s1 =	rddreg [dreg:$0x1];
	p0 =	sne.s32 s2, $0x0  }
0x58: {  	s3 =	rddreg [dreg:$0x2];
	[bflag:$0x3] =	sbarrier.arrive $0xFFFF;
	s2 =	simm.s32 @!p0 $0x1C02  }
0x59: {  	[timem:s3], [sflag:s2] =	dma.local @!p0 [hbm:s0], s1  }
0x5a: {  	s0 =	simm.s32 @!p0 $0x2  }
0x5b: {  	_ =	swait.ge @!p0 [sflag:s0], s1  }
0x5c: {  	s1 =	ssub.s32 @!p0 $0x0, s1;
	[sflag:s0] =	ssyncset.done @!p0 $0x0  }
0x5d: {  	[sflag:s0] =	ssyncadd.s32 @!p0 s1  }
0x5e: {  	[bflag:$0x3] =	sbarrier.arrive $0xFFFF  }
0x5f: {  	_ =	shalt  }

</sc_bundles>
